<compile_context>
chip_gen: v7x
topology: tpu7x:2x2x1
jax: 0.10.2.dev20260603
libtpu: 0.0.44.dev20260713+nightly
codegen_flags: <defaults>
</compile_context>

<pallas_src>
import functools

import jax
import jax.numpy as jnp
from jax import lax
from jax.experimental import pallas as pl
from jax.experimental.pallas import tpu as pltpu
from jax.experimental.pallas import tpu_sc as plsc

_B = 4096
_L = 200
_D = 64
_NC = 2
_NS = 16
_NW = _NC * _NS
_RPW = _B // _NW
_SK = _RPW + 1


def _emb_body(idx_hbm, seq_hbm, table_hbm,
              out_hbm,
              idxl_v, idxt_v, seq_v, rows_a, rows_b, out_a, out_b,
              sem_g, sem_w0, sem_w1):
    wid = lax.axis_index("s") * _NC + lax.axis_index("c")
    b0 = wid * _RPW
    pltpu.sync_copy(seq_hbm.at[pl.ds(b0, _RPW)], seq_v.at[pl.ds(0, _RPW)])
    pltpu.sync_copy(idx_hbm.at[pl.ds(b0 * _L, _RPW * _L)], idxl_v)

    iota16 = lax.iota(jnp.int32, 16)

    def tbody(l, carry):
        lsplat = jnp.full((16,), 0, jnp.int32) + l
        for jg in range(8):
            flat = (iota16 + (jg * 16)) * _L + lsplat
            vals = plsc.load_gather(idxl_v, [flat])
            idxt_v[l, pl.ds(jg * 16, 16)] = vals
        return carry
    lax.fori_loop(0, _L, tbody, 0)

    pltpu.async_copy(table_hbm.at[idxt_v.at[0]], rows_a, sem_g)

    dbase = [iota16 + (c4 * 16) for c4 in range(4)]

    def do_l(l, rows_v, out_v, sem_w, nxt_rows, j):
        @pl.when(j >= 1)
        def _():
            pltpu.make_async_copy(out_hbm.at[0, :, pl.ds(0, _RPW)],
                                  out_v.at[:, pl.ds(0, _RPW)], sem_w).wait()
        pltpu.make_async_copy(table_hbm.at[pl.ds(0, _RPW), :],
                              rows_v, sem_g).wait()

        @pl.when(l + 1 < _L)
        def _():
            pltpu.async_copy(table_hbm.at[idxt_v.at[l + 1]], nxt_rows, sem_g)

        zero16 = jnp.zeros((16,), jnp.float32)

        @functools.partial(plsc.parallel_loop, 0, _RPW, unroll=8)
        def _(jrow):
            lens = seq_v[pl.ds(jrow, 16)]
            mvec = (jnp.full((16,), 0, jnp.int32)
                    + (l < lens[0]).astype(jnp.int32)) > 0
            jsplat = jnp.full((16,), 0, jnp.int32) + jrow
            for c4 in range(4):
                v = jnp.where(mvec, rows_v[jrow, pl.ds(c4 * 16, 16)], zero16)
                plsc.store_scatter(out_v, [dbase[c4], jsplat], v)
        pltpu.async_copy(out_v.at[:, pl.ds(0, _RPW)],
                         out_hbm.at[l, :, pl.ds(b0, _RPW)], sem_w)

    def body(j, carry):
        do_l(2 * j, rows_a, out_a, sem_w0, rows_b, j)
        do_l(2 * j + 1, rows_b, out_b, sem_w1, rows_a, j)
        return carry

    lax.fori_loop(0, _L // 2, body, 0)

    for sem_w, out_v in ((sem_w0, out_a), (sem_w1, out_b)):
        pltpu.make_async_copy(out_hbm.at[0, :, pl.ds(0, _RPW)],
                              out_v.at[:, pl.ds(0, _RPW)], sem_w).wait()


@jax.jit
def _emb_call(idx_flat, seq, table):
    mesh = plsc.VectorSubcoreMesh(core_axis_name="c", subcore_axis_name="s",
                                  num_cores=_NC, num_subcores=_NS)
    fn = pl.kernel(
        _emb_body,
        out_type=jax.ShapeDtypeStruct((_L, _D, _B), jnp.float32),
        mesh=mesh,
        scratch_types=[
            pltpu.VMEM((_RPW * _L,), jnp.int32),
            pltpu.VMEM((_L, _RPW), jnp.int32),
            pltpu.VMEM((_RPW + 16,), jnp.int32),
            pltpu.VMEM((_RPW, _D), jnp.float32),
            pltpu.VMEM((_RPW, _D), jnp.float32),
            pltpu.VMEM((_D, _SK), jnp.float32),
            pltpu.VMEM((_D, _SK), jnp.float32),
            pltpu.SemaphoreType.DMA,
            pltpu.SemaphoreType.DMA,
            pltpu.SemaphoreType.DMA,
        ],
        compiler_params=pltpu.CompilerParams(use_tc_tiling_on_sc=False,
                                             needs_layout_passes=False),
    )
    return fn(idx_flat, seq, table)


def kernel(indices, seq_lens, table):
    idx_flat = indices.reshape(_B * _L).astype(jnp.int32)
    seq = seq_lens.astype(jnp.int32)
    out_t = _emb_call(idx_flat, seq, table)
    out = jnp.transpose(out_t, (2, 0, 1))
    mask = (jnp.arange(_L, dtype=jnp.int32)[None, :]
            < seq_lens.astype(jnp.int32)[:, None]).astype(table.dtype)
    lengths = jnp.broadcast_to(mask[:, :, None], (_B, _L, _D))
    return out, lengths

# --- scband reference (transcript-rebuilt; emitter-appended) ---
"""Pipeline reference for scband-word-embedding-20066087207429 (READ-ONLY COPY).

The authoritative reference and input builder live on the scoring server;
editing this copy changes nothing except your own understanding.
"""

import jax, jax.numpy as jnp
import numpy as np

BATCH = 4096
MAX_LENGTH = 200
VECTOR_SIZE = 64
VOCAB = 1000000


def setup_inputs(seed: int = 0) -> dict:
    key = jax.random.key(seed)
    k1, k2, k3 = jax.random.split(key, 3)
    # token indices per batch element (stand-in for washed/tokenized text mapped to vocab ids)
    indices = jax.random.randint(k1, (BATCH, MAX_LENGTH), 0, VOCAB)
    # true sequence lengths (texts shorter than max_length get padded+masked)
    seq_lens = jax.random.randint(k2, (BATCH,), 0, MAX_LENGTH)
    # pretrained word2vec embedding table (the Word2Vectors model weights)
    table = jax.random.normal(k3, (VOCAB, VECTOR_SIZE), dtype=jnp.float32)
    return {"indices": indices, "seq_lens": seq_lens, "table": table}


def reference(indices, seq_lens, table):
    # Per-word embedding lookup: wd2vc(word) for each word -> gather from table
    emb = jnp.take(table, indices, axis=0)  # [B, L, D]
    # pad_and_mask: zero out positions beyond each text's length and emit the mask
    pos = jnp.arange(MAX_LENGTH)
    mask = (pos[None, :] < seq_lens[:, None]).astype(table.dtype)  # [B, L]
    mask3 = jnp.broadcast_to(mask[:, :, None], emb.shape)  # [B, L, D]
    good_texts = emb * mask3
    lengths = mask3
    return good_texts, lengths

if __name__ == "__main__":
    import jax
    _d = setup_inputs()
    print(jax.jit(kernel)(*tuple(_d.values())))

</pallas_src>

<mosaic_0001>
#map = affine_map<(d0, d1) -> (0)>
#map1 = affine_map<(d0, d1) -> (0, 0)>
#map2 = affine_map<(d0, d1) -> (0, 0, 0)>
module attributes {stable_mosaic.version = 14 : i64} {
  func.func @_emb_body(%arg0: i32, %arg1: i32, %arg2: memref<819200xi32, #tpu.memory_space<hbm>>, %arg3: memref<4096xi32, #tpu.memory_space<hbm>>, %arg4: memref<1000000x64xf32, #tpu.memory_space<hbm>>, %arg5: memref<200x64x4096xf32, #tpu.memory_space<hbm>>, %arg6: memref<25600xi32, #tpu.memory_space<vmem>>, %arg7: memref<200x128xi32, #tpu.memory_space<vmem>>, %arg8: memref<144xi32, #tpu.memory_space<vmem>>, %arg9: memref<128x64xf32, #tpu.memory_space<vmem>>, %arg10: memref<128x64xf32, #tpu.memory_space<vmem>>, %arg11: memref<64x129xf32, #tpu.memory_space<vmem>>, %arg12: memref<64x129xf32, #tpu.memory_space<vmem>>, %arg13: memref<!tpu.dma_semaphore, #tpu.memory_space<semaphore_mem>>, %arg14: memref<!tpu.dma_semaphore, #tpu.memory_space<semaphore_mem>>, %arg15: memref<!tpu.dma_semaphore, #tpu.memory_space<semaphore_mem>>) attributes {dimension_semantics = [#tpu.dimension_semantics<core_parallel>, #tpu.dimension_semantics<subcore_parallel>], iteration_bounds = array<i64: 2, 16>, scalar_prefetch = 0 : i64, scratch_operands = 10 : i64, tpu.core_type = #tpu.core_type<sc_vector_subcore>, window_params = [{transform_indices = #map}, {transform_indices = #map}, {transform_indices = #map1}, {transform_indices = #map2}]} {
    %mul3A = arith.constant 2 : i32
    %mul3A_0 = arith.muli %arg1, %mul3A : i32
    %add3A = arith.addi %mul3A_0, %arg0 : i32
    %mul3A_1 = arith.constant 128 : i32
    %mul3A_2 = arith.muli %add3A, %mul3A_1 : i32
    "tpu.region"() ({
      %run_scoped3A = tpu.sem_alloc : memref<!tpu.dma_semaphore, #tpu.memory_space<semaphore_mem>>
      %dma_start3A_63 = arith.constant 0 : i32
      %dma_start3A_64 = tpu.memref_slice %arg8[%dma_start3A_63] : memref<144xi32, #tpu.memory_space<vmem>> -> memref<128xi32, #tpu.memory_space<vmem>>
      %dma_start3A_65 = tpu.memref_slice %arg3[%mul3A_2] : memref<4096xi32, #tpu.memory_space<hbm>> -> memref<128xi32, #tpu.memory_space<hbm>>
      %dma_start3A_66 = arith.constant 0 : i32
      %dma_start3A_67 = tpu.memref_slice %arg8[%dma_start3A_66] : memref<144xi32, #tpu.memory_space<vmem>> -> memref<128xi32, #tpu.memory_space<vmem>>
      %dma_start3A_68 = tpu.memref_slice %arg3[%mul3A_2] : memref<4096xi32, #tpu.memory_space<hbm>> -> memref<128xi32, #tpu.memory_space<hbm>>
      tpu.enqueue_dma source(%dma_start3A_68 : memref<128xi32, #tpu.memory_space<hbm>>) target(%dma_start3A_67 : memref<128xi32, #tpu.memory_space<vmem>>) target_semaphore(%run_scoped3A : memref<!tpu.dma_semaphore, #tpu.memory_space<semaphore_mem>>)
      %dma_wait3A_69 = arith.constant 0 : i32
      %dma_wait3A_70 = tpu.memref_slice %arg8[%dma_wait3A_69] : memref<144xi32, #tpu.memory_space<vmem>> -> memref<128xi32, #tpu.memory_space<vmem>>
      %dma_wait3A_71 = tpu.memref_slice %arg3[%mul3A_2] : memref<4096xi32, #tpu.memory_space<hbm>> -> memref<128xi32, #tpu.memory_space<hbm>>
      %dma_wait3A_72 = arith.constant 0 : i32
      %dma_wait3A_73 = tpu.memref_slice %arg8[%dma_wait3A_72] : memref<144xi32, #tpu.memory_space<vmem>> -> memref<128xi32, #tpu.memory_space<vmem>>
      %dma_wait3A_74 = tpu.memref_slice %arg3[%mul3A_2] : memref<4096xi32, #tpu.memory_space<hbm>> -> memref<128xi32, #tpu.memory_space<hbm>>
      tpu.wait_dma2 semaphore(%run_scoped3A : memref<!tpu.dma_semaphore, #tpu.memory_space<semaphore_mem>>) src(%dma_wait3A_74 : memref<128xi32, #tpu.memory_space<hbm>>) dst(%dma_wait3A_73 : memref<128xi32, #tpu.memory_space<vmem>>)
      tpu.yield
    }) : () -> ()
    %mul3A_3 = arith.constant 200 : i32
    %mul3A_4 = arith.muli %mul3A_2, %mul3A_3 : i32
    "tpu.region"() ({
      %run_scoped3A = tpu.sem_alloc : memref<!tpu.dma_semaphore, #tpu.memory_space<semaphore_mem>>
      %dma_start3A_63 = tpu.memref_slice %arg2[%mul3A_4] : memref<819200xi32, #tpu.memory_space<hbm>> -> memref<25600xi32, #tpu.memory_space<hbm>>
      %dma_start3A_64 = tpu.memref_slice %arg2[%mul3A_4] : memref<819200xi32, #tpu.memory_space<hbm>> -> memref<25600xi32, #tpu.memory_space<hbm>>
      tpu.enqueue_dma source(%dma_start3A_64 : memref<25600xi32, #tpu.memory_space<hbm>>) target(%arg6 : memref<25600xi32, #tpu.memory_space<vmem>>) target_semaphore(%run_scoped3A : memref<!tpu.dma_semaphore, #tpu.memory_space<semaphore_mem>>)
      %dma_wait3A_65 = tpu.memref_slice %arg2[%mul3A_4] : memref<819200xi32, #tpu.memory_space<hbm>> -> memref<25600xi32, #tpu.memory_space<hbm>>
      %dma_wait3A_66 = tpu.memref_slice %arg2[%mul3A_4] : memref<819200xi32, #tpu.memory_space<hbm>> -> memref<25600xi32, #tpu.memory_space<hbm>>
      tpu.wait_dma2 semaphore(%run_scoped3A : memref<!tpu.dma_semaphore, #tpu.memory_space<semaphore_mem>>) src(%dma_wait3A_66 : memref<25600xi32, #tpu.memory_space<hbm>>) dst(%arg6 : memref<25600xi32, #tpu.memory_space<vmem>>)
      tpu.yield
    }) : () -> ()
    %iota3A = tpu.iota {dimensions = array<i32: 0>} : vector<16xi32>
    %scan3A = arith.constant 0 : i32
    %scan3A_5 = arith.constant 0 : i32
    %scan3A_6 = arith.constant 200 : i32
    %scan3A_7 = arith.addi %scan3A_5, %scan3A_6 : i32
    %scan3A_8 = arith.constant 1 : i32
    scf.for %scan3A_63 = %scan3A_5 to %scan3A_7 step %scan3A_8  : i32 {
      %broadcast_in_dim3A = arith.constant 0 : i32
      %broadcast_in_dim3A_64 = vector.broadcast %broadcast_in_dim3A : i32 to vector<16xi32>
      %add3A_65 = vector.broadcast %scan3A_63 : i32 to vector<16xi32>
      %add3A_66 = arith.addi %broadcast_in_dim3A_64, %add3A_65 : vector<16xi32>
      %add3A_67 = arith.constant 0 : i32
      %add3A_68 = vector.broadcast %add3A_67 : i32 to vector<16xi32>
      %add3A_69 = arith.addi %iota3A, %add3A_68 : vector<16xi32>
      %mul3A_70 = arith.constant 200 : i32
      %mul3A_71 = vector.broadcast %mul3A_70 : i32 to vector<16xi32>
      %mul3A_72 = arith.muli %add3A_69, %mul3A_71 : vector<16xi32>
      %add3A_73 = arith.addi %mul3A_72, %add3A_66 : vector<16xi32>
      %gather3A = tpu.vector_load_idx %arg6[%add3A_73] : memref<25600xi32, #tpu.memory_space<vmem>>[vector<16xi32>], vector<16xi32>,
      %swap3A = arith.index_cast %scan3A_63 : i32 to index
      %swap3A_74 = arith.constant 0 : index
      %swap3A_75 = tpu.vector_load %arg7[%swap3A, %swap3A_74] {strides = array<i32>} : memref<200x128xi32, #tpu.memory_space<vmem>>, vector<16xi32>,
      tpu.vector_store %arg7[%swap3A, %swap3A_74], %gather3A {strides = array<i32>} : memref<200x128xi32, #tpu.memory_space<vmem>>, vector<16xi32>,
      %add3A_76 = arith.constant 16 : i32
      %add3A_77 = vector.broadcast %add3A_76 : i32 to vector<16xi32>
      %add3A_78 = arith.addi %iota3A, %add3A_77 : vector<16xi32>
      %mul3A_79 = arith.constant 200 : i32
      %mul3A_80 = vector.broadcast %mul3A_79 : i32 to vector<16xi32>
      %mul3A_81 = arith.muli %add3A_78, %mul3A_80 : vector<16xi32>
      %add3A_82 = arith.addi %mul3A_81, %add3A_66 : vector<16xi32>
      %gather3A_83 = tpu.vector_load_idx %arg6[%add3A_82] : memref<25600xi32, #tpu.memory_space<vmem>>[vector<16xi32>], vector<16xi32>,
      %swap3A_84 = arith.index_cast %scan3A_63 : i32 to index
      %swap3A_85 = arith.constant 16 : index
      %swap3A_86 = tpu.vector_load %arg7[%swap3A_84, %swap3A_85] {strides = array<i32>} : memref<200x128xi32, #tpu.memory_space<vmem>>, vector<16xi32>,
      tpu.vector_store %arg7[%swap3A_84, %swap3A_85], %gather3A_83 {strides = array<i32>} : memref<200x128xi32, #tpu.memory_space<vmem>>, vector<16xi32>,
      %add3A_87 = arith.constant 32 : i32
      %add3A_88 = vector.broadcast %add3A_87 : i32 to vector<16xi32>
      %add3A_89 = arith.addi %iota3A, %add3A_88 : vector<16xi32>
      %mul3A_90 = arith.constant 200 : i32
      %mul3A_91 = vector.broadcast %mul3A_90 : i32 to vector<16xi32>
      %mul3A_92 = arith.muli %add3A_89, %mul3A_91 : vector<16xi32>
      %add3A_93 = arith.addi %mul3A_92, %add3A_66 : vector<16xi32>
      %gather3A_94 = tpu.vector_load_idx %arg6[%add3A_93] : memref<25600xi32, #tpu.memory_space<vmem>>[vector<16xi32>], vector<16xi32>,
      %swap3A_95 = arith.index_cast %scan3A_63 : i32 to index
      %swap3A_96 = arith.constant 32 : index
      %swap3A_97 = tpu.vector_load %arg7[%swap3A_95, %swap3A_96] {strides = array<i32>} : memref<200x128xi32, #tpu.memory_space<vmem>>, vector<16xi32>,
      tpu.vector_store %arg7[%swap3A_95, %swap3A_96], %gather3A_94 {strides = array<i32>} : memref<200x128xi32, #tpu.memory_space<vmem>>, vector<16xi32>,
      %add3A_98 = arith.constant 48 : i32
      %add3A_99 = vector.broadcast %add3A_98 : i32 to vector<16xi32>
      %add3A_100 = arith.addi %iota3A, %add3A_99 : vector<16xi32>
      %mul3A_101 = arith.constant 200 : i32
      %mul3A_102 = vector.broadcast %mul3A_101 : i32 to vector<16xi32>
      %mul3A_103 = arith.muli %add3A_100, %mul3A_102 : vector<16xi32>
      %add3A_104 = arith.addi %mul3A_103, %add3A_66 : vector<16xi32>
      %gather3A_105 = tpu.vector_load_idx %arg6[%add3A_104] : memref<25600xi32, #tpu.memory_space<vmem>>[vector<16xi32>], vector<16xi32>,
      %swap3A_106 = arith.index_cast %scan3A_63 : i32 to index
      %swap3A_107 = arith.constant 48 : index
      %swap3A_108 = tpu.vector_load %arg7[%swap3A_106, %swap3A_107] {strides = array<i32>} : memref<200x128xi32, #tpu.memory_space<vmem>>, vector<16xi32>,
      tpu.vector_store %arg7[%swap3A_106, %swap3A_107], %gather3A_105 {strides = array<i32>} : memref<200x128xi32, #tpu.memory_space<vmem>>, vector<16xi32>,
      %add3A_109 = arith.constant 64 : i32
      %add3A_110 = vector.broadcast %add3A_109 : i32 to vector<16xi32>
      %add3A_111 = arith.addi %iota3A, %add3A_110 : vector<16xi32>
      %mul3A_112 = arith.constant 200 : i32
      %mul3A_113 = vector.broadcast %mul3A_112 : i32 to vector<16xi32>
      %mul3A_114 = arith.muli %add3A_111, %mul3A_113 : vector<16xi32>
      %add3A_115 = arith.addi %mul3A_114, %add3A_66 : vector<16xi32>
      %gather3A_116 = tpu.vector_load_idx %arg6[%add3A_115] : memref<25600xi32, #tpu.memory_space<vmem>>[vector<16xi32>], vector<16xi32>,
      %swap3A_117 = arith.index_cast %scan3A_63 : i32 to index
      %swap3A_118 = arith.constant 64 : index
      %swap3A_119 = tpu.vector_load %arg7[%swap3A_117, %swap3A_118] {strides = array<i32>} : memref<200x128xi32, #tpu.memory_space<vmem>>, vector<16xi32>,
      tpu.vector_store %arg7[%swap3A_117, %swap3A_118], %gather3A_116 {strides = array<i32>} : memref<200x128xi32, #tpu.memory_space<vmem>>, vector<16xi32>,
      %add3A_120 = arith.constant 80 : i32
      %add3A_121 = vector.broadcast %add3A_120 : i32 to vector<16xi32>
      %add3A_122 = arith.addi %iota3A, %add3A_121 : vector<16xi32>
      %mul3A_123 = arith.constant 200 : i32
      %mul3A_124 = vector.broadcast %mul3A_123 : i32 to vector<16xi32>
      %mul3A_125 = arith.muli %add3A_122, %mul3A_124 : vector<16xi32>
      %add3A_126 = arith.addi %mul3A_125, %add3A_66 : vector<16xi32>
      %gather3A_127 = tpu.vector_load_idx %arg6[%add3A_126] : memref<25600xi32, #tpu.memory_space<vmem>>[vector<16xi32>], vector<16xi32>,
      %swap3A_128 = arith.index_cast %scan3A_63 : i32 to index
      %swap3A_129 = arith.constant 80 : index
      %swap3A_130 = tpu.vector_load %arg7[%swap3A_128, %swap3A_129] {strides = array<i32>} : memref<200x128xi32, #tpu.memory_space<vmem>>, vector<16xi32>,
      tpu.vector_store %arg7[%swap3A_128, %swap3A_129], %gather3A_127 {strides = array<i32>} : memref<200x128xi32, #tpu.memory_space<vmem>>, vector<16xi32>,
      %add3A_131 = arith.constant 96 : i32
      %add3A_132 = vector.broadcast %add3A_131 : i32 to vector<16xi32>
      %add3A_133 = arith.addi %iota3A, %add3A_132 : vector<16xi32>
      %mul3A_134 = arith.constant 200 : i32
      %mul3A_135 = vector.broadcast %mul3A_134 : i32 to vector<16xi32>
      %mul3A_136 = arith.muli %add3A_133, %mul3A_135 : vector<16xi32>
      %add3A_137 = arith.addi %mul3A_136, %add3A_66 : vector<16xi32>
      %gather3A_138 = tpu.vector_load_idx %arg6[%add3A_137] : memref<25600xi32, #tpu.memory_space<vmem>>[vector<16xi32>], vector<16xi32>,
      %swap3A_139 = arith.index_cast %scan3A_63 : i32 to index
      %swap3A_140 = arith.constant 96 : index
      %swap3A_141 = tpu.vector_load %arg7[%swap3A_139, %swap3A_140] {strides = array<i32>} : memref<200x128xi32, #tpu.memory_space<vmem>>, vector<16xi32>,
      tpu.vector_store %arg7[%swap3A_139, %swap3A_140], %gather3A_138 {strides = array<i32>} : memref<200x128xi32, #tpu.memory_space<vmem>>, vector<16xi32>,
      %add3A_142 = arith.constant 112 : i32
      %add3A_143 = vector.broadcast %add3A_142 : i32 to vector<16xi32>
      %add3A_144 = arith.addi %iota3A, %add3A_143 : vector<16xi32>
      %mul3A_145 = arith.constant 200 : i32
      %mul3A_146 = vector.broadcast %mul3A_145 : i32 to vector<16xi32>
      %mul3A_147 = arith.muli %add3A_144, %mul3A_146 : vector<16xi32>
      %add3A_148 = arith.addi %mul3A_147, %add3A_66 : vector<16xi32>
      %gather3A_149 = tpu.vector_load_idx %arg6[%add3A_148] : memref<25600xi32, #tpu.memory_space<vmem>>[vector<16xi32>], vector<16xi32>,
      %swap3A_150 = arith.index_cast %scan3A_63 : i32 to index
      %swap3A_151 = arith.constant 112 : index
      %swap3A_152 = tpu.vector_load %arg7[%swap3A_150, %swap3A_151] {strides = array<i32>} : memref<200x128xi32, #tpu.memory_space<vmem>>, vector<16xi32>,
      tpu.vector_store %arg7[%swap3A_150, %swap3A_151], %gather3A_149 {strides = array<i32>} : memref<200x128xi32, #tpu.memory_space<vmem>>, vector<16xi32>,
    }
    %scan3A_9 = arith.constant 200 : i32
    %dma_start3A = arith.constant 0 : i32
    %dma_start3A_10 = arith.constant 0 : i32
    %dma_start3A_11 = tpu.memref_slice %arg7[%dma_start3A, %dma_start3A_10] : memref<200x128xi32, #tpu.memory_space<vmem>> -> memref<1x128xi32, #tpu.memory_space<vmem>>
    %dma_start3A_12 = tpu.memref_squeeze %dma_start3A_11 : memref<1x128xi32, #tpu.memory_space<vmem>> -> memref<128xi32, #tpu.memory_space<vmem>>
    %dma_start3A_13 = arith.constant 0 : i32
    %dma_start3A_14 = arith.constant 0 : i32
    %dma_start3A_15 = tpu.memref_slice %arg4[%dma_start3A_13, %dma_start3A_14] : memref<1000000x64xf32, #tpu.memory_space<hbm>> -> memref<1000000x64xf32, #tpu.memory_space<hbm>>
    tpu.enqueue_indirect_dma source(%dma_start3A_15 : memref<1000000x64xf32, #tpu.memory_space<hbm>>) target(%arg9 : memref<128x64xf32, #tpu.memory_space<vmem>>) offsets(%dma_start3A_12 : memref<128xi32, #tpu.memory_space<vmem>>) semaphore(%arg13 : memref<!tpu.dma_semaphore, #tpu.memory_space<semaphore_mem>>)
    %add3A_16 = arith.constant 0 : i32
    %add3A_17 = vector.broadcast %add3A_16 : i32 to vector<16xi32>
    %add3A_18 = arith.addi %iota3A, %add3A_17 : vector<16xi32>
    %add3A_19 = arith.constant 16 : i32
    %add3A_20 = vector.broadcast %add3A_19 : i32 to vector<16xi32>
    %add3A_21 = arith.addi %iota3A, %add3A_20 : vector<16xi32>
    %add3A_22 = arith.constant 32 : i32
    %add3A_23 = vector.broadcast %add3A_22 : i32 to vector<16xi32>
    %add3A_24 = arith.addi %iota3A, %add3A_23 : vector<16xi32>
    %add3A_25 = arith.constant 48 : i32
    %add3A_26 = vector.broadcast %add3A_25 : i32 to vector<16xi32>
    %add3A_27 = arith.addi %iota3A, %add3A_26 : vector<16xi32>
    %scan3A_28 = arith.constant 0 : i32
    %scan3A_29 = arith.constant 0 : i32
    %scan3A_30 = arith.constant 100 : i32
    %scan3A_31 = arith.addi %scan3A_29, %scan3A_30 : i32
    %scan3A_32 = arith.constant 1 : i32
    scf.for %scan3A_63 = %scan3A_29 to %scan3A_31 step %scan3A_32  : i32 {
      %mul3A_64 = arith.constant 2 : i32
      %mul3A_65 = arith.muli %mul3A_64, %scan3A_63 : i32
      %ge3A = arith.constant 1 : i32
      %ge3A_66 = arith.cmpi sge, %scan3A_63, %ge3A : i32
      %convert_element_type3A = arith.extui %ge3A_66 : i1 to i32
      %cond3A = arith.constant 0 : i32
      %cond3A_67 = arith.cmpi ne, %convert_element_type3A, %cond3A : i32
      scf.if %cond3A_67 {
        %dma_wait3A_129 = arith.constant 0 : i32
        %dma_wait3A_130 = arith.constant 0 : i32
        %dma_wait3A_131 = arith.constant 0 : i32
        %dma_wait3A_132 = tpu.memref_slice %arg11[%dma_wait3A_130, %dma_wait3A_131] : memref<64x129xf32, #tpu.memory_space<vmem>> -> memref<64x128xf32, #tpu.memory_space<vmem>>
        %dma_wait3A_133 = arith.constant 0 : i32
        %dma_wait3A_134 = arith.constant 0 : i32
        %dma_wait3A_135 = tpu.memref_slice %arg5[%dma_wait3A_129, %dma_wait3A_133, %dma_wait3A_134] : memref<200x64x4096xf32, #tpu.memory_space<hbm>> -> memref<1x64x128xf32, #tpu.memory_space<hbm>>
        %dma_wait3A_136 = tpu.memref_squeeze %dma_wait3A_135 : memref<1x64x128xf32, #tpu.memory_space<hbm>> -> memref<64x128xf32, #tpu.memory_space<hbm>>
        %dma_wait3A_137 = arith.constant 0 : i32
        %dma_wait3A_138 = arith.constant 0 : i32
        %dma_wait3A_139 = tpu.memref_slice %arg11[%dma_wait3A_137, %dma_wait3A_138] : memref<64x129xf32, #tpu.memory_space<vmem>> -> memref<64x128xf32, #tpu.memory_space<vmem>>
        %dma_wait3A_140 = arith.constant 0 : i32
        %dma_wait3A_141 = arith.constant 0 : i32
        %dma_wait3A_142 = tpu.memref_slice %arg5[%dma_wait3A_129, %dma_wait3A_140, %dma_wait3A_141] : memref<200x64x4096xf32, #tpu.memory_space<hbm>> -> memref<1x64x128xf32, #tpu.memory_space<hbm>>
        %dma_wait3A_143 = tpu.memref_squeeze %dma_wait3A_142 : memref<1x64x128xf32, #tpu.memory_space<hbm>> -> memref<64x128xf32, #tpu.memory_space<hbm>>
        tpu.wait_dma2 semaphore(%arg14 : memref<!tpu.dma_semaphore, #tpu.memory_space<semaphore_mem>>) src(%dma_wait3A_143 : memref<64x128xf32, #tpu.memory_space<hbm>>) dst(%dma_wait3A_139 : memref<64x128xf32, #tpu.memory_space<vmem>>)
      } else {
      }
      %dma_wait3A_68 = arith.constant 0 : i32
      %dma_wait3A_69 = arith.constant 0 : i32
      %dma_wait3A_70 = tpu.memref_slice %arg4[%dma_wait3A_68, %dma_wait3A_69] : memref<1000000x64xf32, #tpu.memory_space<hbm>> -> memref<128x64xf32, #tpu.memory_space<hbm>>
      %dma_wait3A_71 = arith.constant 0 : i32
      %dma_wait3A_72 = arith.constant 0 : i32
      %dma_wait3A_73 = tpu.memref_slice %arg4[%dma_wait3A_71, %dma_wait3A_72] : memref<1000000x64xf32, #tpu.memory_space<hbm>> -> memref<128x64xf32, #tpu.memory_space<hbm>>
      tpu.wait_dma2 semaphore(%arg13 : memref<!tpu.dma_semaphore, #tpu.memory_space<semaphore_mem>>) src(%dma_wait3A_73 : memref<128x64xf32, #tpu.memory_space<hbm>>) dst(%arg9 : memref<128x64xf32, #tpu.memory_space<vmem>>)
      %add3A_74 = arith.constant 1 : i32
      %add3A_75 = arith.addi %mul3A_65, %add3A_74 : i32
      %lt3A = arith.constant 200 : i32
      %lt3A_76 = arith.cmpi slt, %add3A_75, %lt3A : i32
      %convert_element_type3A_77 = arith.extui %lt3A_76 : i1 to i32
      %cond3A_78 = arith.constant 0 : i32
      %cond3A_79 = arith.cmpi ne, %convert_element_type3A_77, %cond3A_78 : i32
      scf.if %cond3A_79 {
        %add3A_129 = arith.constant 1 : i32
        %add3A_130 = arith.addi %mul3A_65, %add3A_129 : i32
        %dma_start3A_131 = arith.constant 0 : i32
        %dma_start3A_132 = tpu.memref_slice %arg7[%add3A_130, %dma_start3A_131] : memref<200x128xi32, #tpu.memory_space<vmem>> -> memref<1x128xi32, #tpu.memory_space<vmem>>
        %dma_start3A_133 = tpu.memref_squeeze %dma_start3A_132 : memref<1x128xi32, #tpu.memory_space<vmem>> -> memref<128xi32, #tpu.memory_space<vmem>>
        %dma_start3A_134 = arith.constant 0 : i32
        %dma_start3A_135 = arith.constant 0 : i32
        %dma_start3A_136 = tpu.memref_slice %arg4[%dma_start3A_134, %dma_start3A_135] : memref<1000000x64xf32, #tpu.memory_space<hbm>> -> memref<1000000x64xf32, #tpu.memory_space<hbm>>
        tpu.enqueue_indirect_dma source(%dma_start3A_136 : memref<1000000x64xf32, #tpu.memory_space<hbm>>) target(%arg10 : memref<128x64xf32, #tpu.memory_space<vmem>>) offsets(%dma_start3A_133 : memref<128xi32, #tpu.memory_space<vmem>>) semaphore(%arg13 : memref<!tpu.dma_semaphore, #tpu.memory_space<semaphore_mem>>)
      } else {
      }
      %broadcast_in_dim3A = arith.constant 0.000000e+00 : f32
      %broadcast_in_dim3A_80 = vector.broadcast %broadcast_in_dim3A : f32 to vector<16xf32>
      %dma_start3A_81 = arith.constant 0 : i32
      %dma_start3A_82 = arith.constant 0 : i32
      %dma_start3A_83 = tpu.memref_slice %arg11[%dma_start3A_81, %dma_start3A_82] : memref<64x129xf32, #tpu.memory_space<vmem>> -> memref<64x128xf32, #tpu.memory_space<vmem>>
      %dma_start3A_84 = arith.constant 0 : i32
      %dma_start3A_85 = tpu.memref_slice %arg5[%mul3A_65, %dma_start3A_84, %mul3A_2] : memref<200x64x4096xf32, #tpu.memory_space<hbm>> -> memref<1x64x128xf32, #tpu.memory_space<hbm>>
      %dma_start3A_86 = tpu.memref_squeeze %dma_start3A_85 : memref<1x64x128xf32, #tpu.memory_space<hbm>> -> memref<64x128xf32, #tpu.memory_space<hbm>>
      %dma_start3A_87 = arith.constant 0 : i32
      %dma_start3A_88 = tpu.memref_slice %arg5[%mul3A_65, %dma_start3A_87, %mul3A_2] : memref<200x64x4096xf32, #tpu.memory_space<hbm>> -> memref<1x64x128xf32, #tpu.memory_space<hbm>>
      %dma_start3A_89 = tpu.memref_squeeze %dma_start3A_88 : memref<1x64x128xf32, #tpu.memory_space<hbm>> -> memref<64x128xf32, #tpu.memory_space<hbm>>
      %dma_start3A_90 = arith.constant 0 : i32
      %dma_start3A_91 = arith.constant 0 : i32
      %dma_start3A_92 = tpu.memref_slice %arg11[%dma_start3A_90, %dma_start3A_91] : memref<64x129xf32, #tpu.memory_space<vmem>> -> memref<64x128xf32, #tpu.memory_space<vmem>>
      tpu.enqueue_dma source(%dma_start3A_92 : memref<64x128xf32, #tpu.memory_space<vmem>>) target(%dma_start3A_89 : memref<64x128xf32, #tpu.memory_space<hbm>>) target_semaphore(%arg14 : memref<!tpu.dma_semaphore, #tpu.memory_space<semaphore_mem>>)
      %mul3A_93 = arith.constant 2 : i32
      %mul3A_94 = arith.muli %mul3A_93, %scan3A_63 : i32
      %add3A_95 = arith.constant 1 : i32
      %add3A_96 = arith.addi %mul3A_94, %add3A_95 : i32
      %ge3A_97 = arith.constant 1 : i32
      %ge3A_98 = arith.cmpi sge, %scan3A_63, %ge3A_97 : i32
      %convert_element_type3A_99 = arith.extui %ge3A_98 : i1 to i32
      %cond3A_100 = arith.constant 0 : i32
      %cond3A_101 = arith.cmpi ne, %convert_element_type3A_99, %cond3A_100 : i32
      scf.if %cond3A_101 {
        %dma_wait3A_129 = arith.constant 0 : i32
        %dma_wait3A_130 = arith.constant 0 : i32
        %dma_wait3A_131 = arith.constant 0 : i32
        %dma_wait3A_132 = tpu.memref_slice %arg12[%dma_wait3A_130, %dma_wait3A_131] : memref<64x129xf32, #tpu.memory_space<vmem>> -> memref<64x128xf32, #tpu.memory_space<vmem>>
        %dma_wait3A_133 = arith.constant 0 : i32
        %dma_wait3A_134 = arith.constant 0 : i32
        %dma_wait3A_135 = tpu.memref_slice %arg5[%dma_wait3A_129, %dma_wait3A_133, %dma_wait3A_134] : memref<200x64x4096xf32, #tpu.memory_space<hbm>> -> memref<1x64x128xf32, #tpu.memory_space<hbm>>
        %dma_wait3A_136 = tpu.memref_squeeze %dma_wait3A_135 : memref<1x64x128xf32, #tpu.memory_space<hbm>> -> memref<64x128xf32, #tpu.memory_space<hbm>>
        %dma_wait3A_137 = arith.constant 0 : i32
        %dma_wait3A_138 = arith.constant 0 : i32
        %dma_wait3A_139 = tpu.memref_slice %arg12[%dma_wait3A_137, %dma_wait3A_138] : memref<64x129xf32, #tpu.memory_space<vmem>> -> memref<64x128xf32, #tpu.memory_space<vmem>>
        %dma_wait3A_140 = arith.constant 0 : i32
        %dma_wait3A_141 = arith.constant 0 : i32
        %dma_wait3A_142 = tpu.memref_slice %arg5[%dma_wait3A_129, %dma_wait3A_140, %dma_wait3A_141] : memref<200x64x4096xf32, #tpu.memory_space<hbm>> -> memref<1x64x128xf32, #tpu.memory_space<hbm>>
        %dma_wait3A_143 = tpu.memref_squeeze %dma_wait3A_142 : memref<1x64x128xf32, #tpu.memory_space<hbm>> -> memref<64x128xf32, #tpu.memory_space<hbm>>
        tpu.wait_dma2 semaphore(%arg15 : memref<!tpu.dma_semaphore, #tpu.memory_space<semaphore_mem>>) src(%dma_wait3A_143 : memref<64x128xf32, #tpu.memory_space<hbm>>) dst(%dma_wait3A_139 : memref<64x128xf32, #tpu.memory_space<vmem>>)
      } else {
      }
      %dma_wait3A_102 = arith.constant 0 : i32
      %dma_wait3A_103 = arith.constant 0 : i32
      %dma_wait3A_104 = tpu.memref_slice %arg4[%dma_wait3A_102, %dma_wait3A_103] : memref<1000000x64xf32, #tpu.memory_space<hbm>> -> memref<128x64xf32, #tpu.memory_space<hbm>>
      %dma_wait3A_105 = arith.constant 0 : i32
      %dma_wait3A_106 = arith.constant 0 : i32
      %dma_wait3A_107 = tpu.memref_slice %arg4[%dma_wait3A_105, %dma_wait3A_106] : memref<1000000x64xf32, #tpu.memory_space<hbm>> -> memref<128x64xf32, #tpu.memory_space<hbm>>
      tpu.wait_dma2 semaphore(%arg13 : memref<!tpu.dma_semaphore, #tpu.memory_space<semaphore_mem>>) src(%dma_wait3A_107 : memref<128x64xf32, #tpu.memory_space<hbm>>) dst(%arg10 : memref<128x64xf32, #tpu.memory_space<vmem>>)
      %add3A_108 = arith.constant 1 : i32
      %add3A_109 = arith.addi %add3A_96, %add3A_108 : i32
      %lt3A_110 = arith.constant 200 : i32
      %lt3A_111 = arith.cmpi slt, %add3A_109, %lt3A_110 : i32
      %convert_element_type3A_112 = arith.extui %lt3A_111 : i1 to i32
      %cond3A_113 = arith.constant 0 : i32
      %cond3A_114 = arith.cmpi ne, %convert_element_type3A_112, %cond3A_113 : i32
      scf.if %cond3A_114 {
        %add3A_129 = arith.constant 1 : i32
        %add3A_130 = arith.addi %add3A_96, %add3A_129 : i32
        %dma_start3A_131 = arith.constant 0 : i32
        %dma_start3A_132 = tpu.memref_slice %arg7[%add3A_130, %dma_start3A_131] : memref<200x128xi32, #tpu.memory_space<vmem>> -> memref<1x128xi32, #tpu.memory_space<vmem>>
        %dma_start3A_133 = tpu.memref_squeeze %dma_start3A_132 : memref<1x128xi32, #tpu.memory_space<vmem>> -> memref<128xi32, #tpu.memory_space<vmem>>
        %dma_start3A_134 = arith.constant 0 : i32
        %dma_start3A_135 = arith.constant 0 : i32
        %dma_start3A_136 = tpu.memref_slice %arg4[%dma_start3A_134, %dma_start3A_135] : memref<1000000x64xf32, #tpu.memory_space<hbm>> -> memref<1000000x64xf32, #tpu.memory_space<hbm>>
        tpu.enqueue_indirect_dma source(%dma_start3A_136 : memref<1000000x64xf32, #tpu.memory_space<hbm>>) target(%arg9 : memref<128x64xf32, #tpu.memory_space<vmem>>) offsets(%dma_start3A_133 : memref<128xi32, #tpu.memory_space<vmem>>) semaphore(%arg13 : memref<!tpu.dma_semaphore, #tpu.memory_space<semaphore_mem>>)
      } else {
      }
      %broadcast_in_dim3A_115 = arith.constant 0.000000e+00 : f32
      %broadcast_in_dim3A_116 = vector.broadcast %broadcast_in_dim3A_115 : f32 to vector<16xf32>
      %dma_start3A_117 = arith.constant 0 : i32
      %dma_start3A_118 = arith.constant 0 : i32
      %dma_start3A_119 = tpu.memref_slice %arg12[%dma_start3A_117, %dma_start3A_118] : memref<64x129xf32, #tpu.memory_space<vmem>> -> memref<64x128xf32, #tpu.memory_space<vmem>>
      %dma_start3A_120 = arith.constant 0 : i32
      %dma_start3A_121 = tpu.memref_slice %arg5[%add3A_96, %dma_start3A_120, %mul3A_2] : memref<200x64x4096xf32, #tpu.memory_space<hbm>> -> memref<1x64x128xf32, #tpu.memory_space<hbm>>
      %dma_start3A_122 = tpu.memref_squeeze %dma_start3A_121 : memref<1x64x128xf32, #tpu.memory_space<hbm>> -> memref<64x128xf32, #tpu.memory_space<hbm>>
      %dma_start3A_123 = arith.constant 0 : i32
      %dma_start3A_124 = tpu.memref_slice %arg5[%add3A_96, %dma_start3A_123, %mul3A_2] : memref<200x64x4096xf32, #tpu.memory_space<hbm>> -> memref<1x64x128xf32, #tpu.memory_space<hbm>>
      %dma_start3A_125 = tpu.memref_squeeze %dma_start3A_124 : memref<1x64x128xf32, #tpu.memory_space<hbm>> -> memref<64x128xf32, #tpu.memory_space<hbm>>
      %dma_start3A_126 = arith.constant 0 : i32
      %dma_start3A_127 = arith.constant 0 : i32
      %dma_start3A_128 = tpu.memref_slice %arg12[%dma_start3A_126, %dma_start3A_127] : memref<64x129xf32, #tpu.memory_space<vmem>> -> memref<64x128xf32, #tpu.memory_space<vmem>>
      tpu.enqueue_dma source(%dma_start3A_128 : memref<64x128xf32, #tpu.memory_space<vmem>>) target(%dma_start3A_125 : memref<64x128xf32, #tpu.memory_space<hbm>>) target_semaphore(%arg15 : memref<!tpu.dma_semaphore, #tpu.memory_space<semaphore_mem>>)
    }
    %scan3A_33 = arith.constant 100 : i32
    %dma_wait3A = arith.constant 0 : i32
    %dma_wait3A_34 = arith.constant 0 : i32
    %dma_wait3A_35 = arith.constant 0 : i32
    %dma_wait3A_36 = tpu.memref_slice %arg11[%dma_wait3A_34, %dma_wait3A_35] : memref<64x129xf32, #tpu.memory_space<vmem>> -> memref<64x128xf32, #tpu.memory_space<vmem>>
    %dma_wait3A_37 = arith.constant 0 : i32
    %dma_wait3A_38 = arith.constant 0 : i32
    %dma_wait3A_39 = tpu.memref_slice %arg5[%dma_wait3A, %dma_wait3A_37, %dma_wait3A_38] : memref<200x64x4096xf32, #tpu.memory_space<hbm>> -> memref<1x64x128xf32, #tpu.memory_space<hbm>>
    %dma_wait3A_40 = tpu.memref_squeeze %dma_wait3A_39 : memref<1x64x128xf32, #tpu.memory_space<hbm>> -> memref<64x128xf32, #tpu.memory_space<hbm>>
    %dma_wait3A_41 = arith.constant 0 : i32
    %dma_wait3A_42 = arith.constant 0 : i32
    %dma_wait3A_43 = tpu.memref_slice %arg11[%dma_wait3A_41, %dma_wait3A_42] : memref<64x129xf32, #tpu.memory_space<vmem>> -> memref<64x128xf32, #tpu.memory_space<vmem>>
    %dma_wait3A_44 = arith.constant 0 : i32
    %dma_wait3A_45 = arith.constant 0 : i32
    %dma_wait3A_46 = tpu.memref_slice %arg5[%dma_wait3A, %dma_wait3A_44, %dma_wait3A_45] : memref<200x64x4096xf32, #tpu.memory_space<hbm>> -> memref<1x64x128xf32, #tpu.memory_space<hbm>>
    %dma_wait3A_47 = tpu.memref_squeeze %dma_wait3A_46 : memref<1x64x128xf32, #tpu.memory_space<hbm>> -> memref<64x128xf32, #tpu.memory_space<hbm>>
    tpu.wait_dma2 semaphore(%arg14 : memref<!tpu.dma_semaphore, #tpu.memory_space<semaphore_mem>>) src(%dma_wait3A_47 : memref<64x128xf32, #tpu.memory_space<hbm>>) dst(%dma_wait3A_43 : memref<64x128xf32, #tpu.memory_space<vmem>>)
    %dma_wait3A_48 = arith.constant 0 : i32
    %dma_wait3A_49 = arith.constant 0 : i32
    %dma_wait3A_50 = arith.constant 0 : i32
    %dma_wait3A_51 = tpu.memref_slice %arg12[%dma_wait3A_49, %dma_wait3A_50] : memref<64x129xf32, #tpu.memory_space<vmem>> -> memref<64x128xf32, #tpu.memory_space<vmem>>
    %dma_wait3A_52 = arith.constant 0 : i32
    %dma_wait3A_53 = arith.constant 0 : i32
    %dma_wait3A_54 = tpu.memref_slice %arg5[%dma_wait3A_48, %dma_wait3A_52, %dma_wait3A_53] : memref<200x64x4096xf32, #tpu.memory_space<hbm>> -> memref<1x64x128xf32, #tpu.memory_space<hbm>>
    %dma_wait3A_55 = tpu.memref_squeeze %dma_wait3A_54 : memref<1x64x128xf32, #tpu.memory_space<hbm>> -> memref<64x128xf32, #tpu.memory_space<hbm>>
    %dma_wait3A_56 = arith.constant 0 : i32
    %dma_wait3A_57 = arith.constant 0 : i32
    %dma_wait3A_58 = tpu.memref_slice %arg12[%dma_wait3A_56, %dma_wait3A_57] : memref<64x129xf32, #tpu.memory_space<vmem>> -> memref<64x128xf32, #tpu.memory_space<vmem>>
    %dma_wait3A_59 = arith.constant 0 : i32
    %dma_wait3A_60 = arith.constant 0 : i32
    %dma_wait3A_61 = tpu.memref_slice %arg5[%dma_wait3A_48, %dma_wait3A_59, %dma_wait3A_60] : memref<200x64x4096xf32, #tpu.memory_space<hbm>> -> memref<1x64x128xf32, #tpu.memory_space<hbm>>
    %dma_wait3A_62 = tpu.memref_squeeze %dma_wait3A_61 : memref<1x64x128xf32, #tpu.memory_space<hbm>> -> memref<64x128xf32, #tpu.memory_space<hbm>>
    tpu.wait_dma2 semaphore(%arg15 : memref<!tpu.dma_semaphore, #tpu.memory_space<semaphore_mem>>) src(%dma_wait3A_62 : memref<64x128xf32, #tpu.memory_space<hbm>>) dst(%dma_wait3A_58 : memref<64x128xf32, #tpu.memory_space<vmem>>)
    return
  }
}

</mosaic_0001>

<sc_bundles>
// kernel: _emb_call.3.cloned.1.call-start
scs
__scs_entry_jumppad:
0x0: {  	(pc) =	sbr.rel $0x88, $3  }
0x1: {  	(tag) =	ssettag $0x0;
	lr =	simm.s32 $0x1  }
0x2: {  	[smem:$0x3F9E] =	sst lr;
	_ =	strace $0xD0000000  }
0x3: {  	_ = 	snop  }
0x4: {  	_ = 	snop  }
0x5: {  	_ = 	snop  }
0x6: {  	_ = 	snop  }
0x7: {  	_ = 	snop  }
__scs_overlays_trampoline_lowered:
0x8: {  	[smem:$0x3FAD] =	sst s0  }
0x9: {  	[smem:$0x3FAE] =	sst s1  }
0xa: {  	[smem:$0x3FAF] =	sst s2  }
0xb: {  	[smem:$0x3FB0] =	sst s3  }
0xc: {  	[smem:$0x3FB1] =	sst s4  }
0xd: {  	[smem:$0x3FB2] =	sst s5  }
0xe: {  	[smem:$0x3FB3] =	sst s6  }
0xf: {  	[smem:$0x3FB4] =	sst s7  }
0x10: {  	[smem:$0x3FB5] =	sst s8  }
0x11: {  	[smem:$0x3FB6] =	sst s9;
	s0 =	simm.s32 @!p0 $0x0  }
0x12: {  	s1 =	sld [smem:$0x3F9C];
	s0 =	simm.s32 @p0 $0x1  }
0x13: {  	[smem:$0x3FB7] =	sst s0;
	s0 =	simm.s32 @!p1 $0x0  }
0x14: {  	s2 =	sld [smem:$0x3F9B];
	s0 =	simm.s32 @p1 $0x1  }
0x15: {  	[smem:$0x3FB8] =	sst s0;
	s0 =	simm.s32 @!p2 $0x0  }
0x16: {  	s3 =	sld [smem:$0x3FDB];
	s0 =	simm.s32 @p2 $0x1  }
0x17: {  	s4 =	simm.s32 $0x1BF5;
	[smem:$0x3FBA] =	sst s0  }
0x18: {  	s0 =	sld [smem:$0x3F9D];
	_ =	swait.ge [sflag:s4], $0x0  }
0x19: {  	s7 =	sld [smem:$0x3F9E]  }
0x1a: {  	s8 =	sadd.s32 $0xFFFFE003, lr  }
0x1b: {  	s9 =	sadd.s32 $0xFFFFFEF7, lr;
	s5 =	simm.s32 $0xFFFFFFFF;
	p2 =	slt.u32 s8, $0xFFFFF086  }
0x1c: {  	p1 =	slt.u32 s9, $0xF7A;
	s5 =	simm.s32 @!p2 $0x0  }
0x1d: {  	s5 =	simm.s32 @p1 $0x1;
	p0 =	seq.s32 s7, s2  }
0x1e: {  	s7 =	smul.u32 @!p0 $0xF7A, s2;
	p2 =	seq.s32 @!p0 s5, $0x0  }
0x1f: {  	s9 =	smul.u32 $0xF7A, s1;
	s8 =	simm.s32 @!p0 $0x1BF5;
	p2 =	por !p2, p0  }
0x20: {  	[sflag:s8] =	ssyncset.s32 @!p0 $0xFFFFF086;
	s6 =	sadd.s32 @!p0 s3, s7;
	s7 =	simm.s32 @!p0 $0x108  }
0x21: {  	s3 =	sadd.s32 s3, s9;
	s6 =	sadd.s32 @!p0 $0x88, s6;
	s7 =	simm.s32 @p2 $0x1082  }
0x22: {  	[simem:s7], [sflag:s8] =	dma.local @!p0 [hbm:s6], $0xF7A  }
0x23: {  	s9 =	sor.u32 $0xD0000000, s2;
	s6 =	simm.s32 $0x108;
	_ =	swait.ge @!p0 [sflag:s8], $0x0  }
0x24: {  	s3 =	sadd.s32 $0x88, s3;
	s6 =	simm.s32 @!p1 $0x1082;
	[sflag:s4] =	ssyncset.s32 $0xFFFFF086  }
0x25: {  	[simem:s6], [sflag:s4] =	dma.local [hbm:s3], $0xF7A  }
0x26: {  	[smem:$0x3F9E] =	sst s1;
	(tag) =	ssettag s2;
	_ =	strace s9  }
0x27: {  	s1 =	sld [smem:$0x3FAE]  }
0x28: {  	s2 =	sld [smem:$0x3FAF]  }
0x29: {  	s4 =	sld [smem:$0x3FB1]  }
0x2a: {  	p0 =	seq.s32 s5, $0x0;
	s5 =	sld [smem:$0x3FB2]  }
0x2b: {  	s6 =	sld [smem:$0x3FB3]  }
0x2c: {  	s7 =	sld [smem:$0x3FB4]  }
0x2d: {  	s3 =	simm.s32 $0x108;
	s8 =	sld [smem:$0x3FB5]  }
0x2e: {  	s3 =	simm.s32 @!p0 $0x1082;
	s9 =	sld [smem:$0x3FB6]  }
0x2f: {  	lr =	sadd.s32 s0, s3;
	s0 =	sld [smem:$0x3FAD]  }
0x30: {  	s3 =	sld [smem:$0x3FB0]  }
0x31: {  	[smem:$0x3FB9] =	sst s10  }
0x32: {  	s10 =	sld [smem:$0x3FB7];
	_ =	sdelay $0x3  }
0x33: {  	p0 =	seq.s32 s10, $0x1;
	s10 =	sld [smem:$0x3FB9];
	_ =	sdelay $0x3  }
0x34: {  	[smem:$0x3FB9] =	sst s10  }
0x35: {  	s10 =	sld [smem:$0x3FB8];
	_ =	sdelay $0x3  }
0x36: {  	p1 =	seq.s32 s10, $0x1;
	s10 =	sld [smem:$0x3FB9];
	_ =	sdelay $0x3  }
0x37: {  	[smem:$0x3FB9] =	sst s10  }
0x38: {  	s10 =	sld [smem:$0x3FBA]  }
0x39: {  	_ = 	snop;
	(pc) =	sbr.ind lr, $3  }
0x3a: {  	_ = 	snop  }
0x3b: {  	_ = 	snop  }
0x3c: {  	p2 =	seq.s32 s10, $0x1;
	s10 =	sld [smem:$0x3FB9]  }
0x3d: {  	_ =	shalt  }
0x3e: {  	_ =	shalt  }
0x3f: {  	_ =	shalt  }
0x40: {  	_ =	shalt  }
0x41: {  	_ =	shalt  }
0x42: {  	_ =	shalt  }
0x43: {  	_ =	shalt  }
0x44: {  	_ =	shalt  }
0x45: {  	_ =	shalt  }
0x46: {  	_ =	shalt  }
0x47: {  	_ =	shalt  }
0x48: {  	_ =	shalt  }
0x49: {  	_ =	shalt  }
0x4a: {  	_ =	shalt  }
0x4b: {  	_ =	shalt  }
0x4c: {  	_ =	shalt  }
0x4d: {  	_ =	shalt  }
0x4e: {  	_ =	shalt  }
0x4f: {  	_ =	shalt  }
0x50: {  	_ =	shalt  }
0x51: {  	_ =	shalt  }
0x52: {  	_ =	shalt  }
0x53: {  	_ =	shalt  }
0x54: {  	_ =	shalt  }
0x55: {  	_ =	shalt  }
0x56: {  	_ =	shalt  }
0x57: {  	_ =	shalt  }
0x58: {  	_ =	shalt  }
0x59: {  	_ =	shalt  }
0x5a: {  	_ =	shalt  }
0x5b: {  	_ =	shalt  }
0x5c: {  	_ =	shalt  }
0x5d: {  	_ =	shalt  }
0x5e: {  	_ =	shalt  }
0x5f: {  	_ =	shalt  }
0x60: {  	_ =	shalt  }
0x61: {  	_ =	shalt  }
0x62: {  	_ =	shalt  }
0x63: {  	_ =	shalt  }
0x64: {  	_ =	shalt  }
0x65: {  	_ =	shalt  }
0x66: {  	_ =	shalt  }
0x67: {  	_ =	shalt  }
0x68: {  	_ =	shalt  }
0x69: {  	_ =	shalt  }
0x6a: {  	_ =	shalt  }
0x6b: {  	_ =	shalt  }
0x6c: {  	_ =	shalt  }
0x6d: {  	_ =	shalt  }
0x6e: {  	_ =	shalt  }
0x6f: {  	_ =	shalt  }
0x70: {  	_ =	shalt  }
0x71: {  	_ =	shalt  }
0x72: {  	_ =	shalt  }
0x73: {  	_ =	shalt  }
0x74: {  	_ =	shalt  }
0x75: {  	_ =	shalt  }
0x76: {  	_ =	shalt  }
0x77: {  	_ =	shalt  }
0x78: {  	_ =	shalt  }
0x79: {  	_ =	shalt  }
0x7a: {  	_ =	shalt  }
0x7b: {  	_ =	shalt  }
0x7c: {  	_ =	shalt  }
0x7d: {  	_ =	shalt  }
0x7e: {  	_ =	shalt  }
0x7f: {  	_ =	shalt  }
0x80: {  	_ =	shalt  }
0x81: {  	_ =	shalt  }
0x82: {  	_ =	shalt  }
0x83: {  	_ =	shalt  }
0x84: {  	_ =	shalt  }
0x85: {  	_ =	shalt  }
0x86: {  	_ =	shalt  }
0x87: {  	_ =	shalt  }
.Lfunc_end0:
.L_simem_size_0:
called_computation_lowered:
.L_overlay_start_0:
0x88: {  	s2 =	sld [smem:$0x3FD9]  }
0x89: {  	s3 =	sld [smem:$0x3FFE];
	_ =	sdelay $0x1  }
0x8a: {  	s1 =	srdreg.scid  }
0x8b: {  	s0 =	sand.u32 $0x1, s1  }
0x8c: {  	s17 =	sshll.u32 s0, $0xA;
	s2 =	sadd.s32 s3, s2  }
0x8d: {  	s2 =	sadd.s32 s2, s17  }
0x8e: {  	[smem:$0x3FC5] =	sst s2  }
0x8f: {  	_ = 	snop  }
0x90: {  	s2 =	sld [smem:$0x3FC9]  }
0x91: {  	s18 =	sld [smem:$0x3FC8];
	(tm) =	ssettm $0x1  }
0x92: {  	s4 =	sld [smem:$0x3FFB];
	_ =	sdelay $0x3  }
0x93: {  	_ =	strace s4  }
0x94: {  	s4 =	sld [smem:$0x3FFC];
	_ =	sdelay $0x3  }
0x95: {  	_ =	strace s4  }
0x96: {  	s4 =	sld [smem:$0x3FFD];
	_ =	sdelay $0x3  }
0x97: {  	_ =	strace s4  }
0x98: {  	_ =	strace $0x8FFFFFFF  }
0x99: {  	s19 =	sld [smem:$0x3FDB];
	_ =	sdelay $0x1  }
0x9a: {  	s5 =	simm.s32 $_scs_section_size  }
0x9b: {  	s6 =	simm.s32 $_size__tile_overlayer_lowered;
	s7 =	simm.s32 $_tile_overlayer_lowered  }
0x9c: {  	s22 =	simm.s32 $0x1BFF;
	s21 =	sshll.u32 s7, $0x1;
	s4 =	sadd.s32 s5, s19  }
0x9d: {  	s8 =	simm.s32 $0x0;
	s20 =	sshll.u32 s6, $0x1;
	s6 =	sadd.s32 s21, s4  }
0x9e: {  	[timem:s8], [sflag:s22] =	dma.local [hbm:s6], s20  }
0x9f: {  	_ =	swait.ge [sflag:s22], s20  }
0xa0: {  	s5 =	ssub.s32 $0x0, s20;
	[sflag:s22] =	ssyncset.done $0x0  }
0xa1: {  	[sflag:s22] =	ssyncadd.s32 s5;
	_ =	sdelay $0x1  }
0xa2: {  	s23 =	simm.s32 $0x1B8B  }
0xa3: {  	_ =	swait.ge [sflag:s23], $0x1  }
0xa4: {  	[sflag:s23] =	ssyncset.done $0x0  }
0xa5: {  	s25 =	simm.s32 $0x1B8E;
	s24 =	sld [smem:$0x3FFE];
	[sflag:s23] =	ssyncadd.s32 $0xFFFFFFFF  }
0xa6: {  	s26 =	simm.s32 $execute0_lowered;
	[smem:$0x3FD2] =	sst s25  }
0xa7: {  	s6 =	sshll.u32 s26, $0x1;
	_ =	strace $0x80000046;
	[dreg:$0x1] =	wrdreg $0xFFFFFFFF  }
0xa8: {  	s28 =	simm.s32 $_size_execute0_lowered;
	s4 =	sadd.s32 s4, s6;
	[dreg:$0x0] =	wrdreg $0x0  }
0xa9: {  	s6 =	sshll.u32 s28, $0x1;
	[dreg:$0x2] =	wrdreg s4  }
0xaa: {  	[dreg:$0x3] =	wrdreg s6  }
0xab: {  	[dreg:$0x4] =	wrdreg $0xC0  }
0xac: {  	_ =	task [dreg:s8], $0x5FFFF  }
0xad: {  	[dreg:$0x1] =	wrdreg $0xFFFFFFFF  }
0xae: {  	[dreg:$0x0] =	wrdreg $0x60  }
0xaf: {  	[dreg:$0x2] =	wrdreg s2  }
0xb0: {  	[dreg:$0x3] =	wrdreg s18  }
0xb1: {  	[dreg:$0x4] =	wrdreg s24  }
0xb2: {  	[dreg:$0x5] =	wrdreg $0x9  }
0xb3: {  	_ =	task.clear_ibuf [dreg:s8], $0x6FFFF;
	_ =	strace $0x90000046  }
0xb4: {  	s29 =	simm.s32 $0x9;
	_ =	strace $0x80000048  }
0xb5: {  	_ =	swait.ge [sflag:s29], $0x1  }
0xb6: {  	[sflag:s29] =	ssyncadd.s32 $0xFFFFFFFF  }
0xb7: {  	_ =	strace $0x90000048  }
0xb8: {  	_ =	sfence  }
0xb9: {  	s30 =	sld [smem:$0x0];
	_ =	sdelay $0x2  }
0xba: {  	s31 =	sshll.u32 s1, $0xD;
	s1 =	sshrl.u32 s1, $0x2  }
0xbb: {  	s3 =	sand.u32 $0x4000, s31;
	s1 =	sadd.s32 s1, s30  }
0xbc: {  	s0 =	sor.u32 s3, s0;
	s1 =	sshll.u32 s1, $0x11  }
0xbd: {  	s0 =	sor.u32 s1, s0  }
0xbe: {  	s0 =	sadd.s32 $0x8F2B, s0  }
0xbf: {  	[sflag:s0] =	ssyncadd.remote.s32 $0x1  }
0xc0: {  	_ =	sfence.sel $0xFFFF  }
0xc1: {  	[dreg:$0x0] =	wrdreg $0xFFFFFFFF;
	(pc) =	sbr.abs _section_cstart, $3  }
0xc2: {  	[dreg:$0x1] =	wrdreg $0xFFFFFFFF  }
0xc3: {  	_ =	task.clear_ibuf [dreg:s8], $0x2FFFF;
	_ =	strace $0x9FFFFFFF  }
0xc4: {  	(tm) =	ssettm $0x7FFFFFFF  }
0xc5: {  	_ =	shalt  }
tec
execute0_lowered:
.L_overlay_start_1:
0x0: {  	(tag) =	ssettag $0x1  }
0x1: {  	s7 =	rddreg [dreg:$0x0]  }
0x2: {  	s6 =	rddreg [dreg:$0x1]  }
0x3: {  	s4 =	rddreg [dreg:$0x2]  }
0x4: {  	s0 =	rddreg [dreg:$0x3];
	s2 =	simm.s32 $0x0;
	s5 =	srdreg.scid  }
0x5: {  	s1 =	stileid.u32;
	s12 =	simm.s32 $0x6400;
	s13 =	simm.s32 $0xC890  }
0x6: {  	s14 =	simm.s32 $0x1;
	s15 =	simm.s32 $0xE890;
	s16 =	simm.s32 $0x2  }
0x7: {  	s17 =	simm.s32 $0x3;
	s18 =	simm.s32 $0x0;
	[smem:$0x7FF] =	sst s2  }
0x8: {  	v0 =	vlaneseq.u32;
	s3 =	sadd.s32 $0xF42800, s4;
	s5 =	sand.u32 $0x1, s5;
	s8 =	sshll.u32 s1, $0x1  }
0x9: {  	s4 =	sadd.s32 $0x400, s4;
	v0 =	vmul.u32 $0xC8, v0;
	s9 =	ssub.s32 $0x2, s5;
	s5 =	sor.u32 s5, s8  }
0xa: {  	_ =	strace $0x80000047;
	s31 =	sshrl.u32 s9, $0x1;
	s10 =	sshll.u32 s5, $0x4  }
0xb: {  	s11 =	smul.u32 $0xC80, s5;
	s5 =	sshll.u32 s5, $0x7;
	v1 =	vadd.s32 $0xC80, v0;
	s8 =	ssub.s32 s9, s31  }
0xc: {  	v2 =	vadd.s32 $0x1900, v0;
	v3 =	vadd.s32 $0x2580, v0;
	v4 =	vadd.s32 $0x3200, v0;
	s6 =	sadd.s32 s6, s10;
	s9 =	simm.s32 $0xC800;
	s10 =	simm.s32 $0x4  }
0xd: {  	v5 =	vadd.s32 $0x3E80, v0;
	v6 =	vadd.s32 $0x4B00, v0;
	v7 =	vadd.s32 $0x5780, v0;
	s7 =	sadd.s32 s7, s11;
	s8 =	smax.u32 s8, $0x1;
	s11 =	simm.s32 $0x80  }
.LBB2_1:
0xe: {  	[tilespmem:s9], [sflag:$0x4] =	stream.linear.gather [hbm4b:s6+s2], $0x80, $0x38;
	[tilespmem:$0x14C90] =	vst v63  }
0xf: {  	_ =	swait.ge [sflag:s10], $0x80  }
0x10: {  	[sflag:s10] =	ssyncset.done $0x0  }
0x11: {  	v8 =	vadd.s32 s2, v0;
	[sflag:s10] =	ssyncadd.s32 $0xFFFFFF80  }
0x12: {  	[tilespmem:s2], [sflag:$0x4] =	stream.linear.gather [hbm4b:s7+s2], $0x6400, $0x38;
	[tilespmem:$0x14C90] =	vst v63  }
0x13: {  	_ =	swait.ge [sflag:s10], $0x6400  }
0x14: {  	[sflag:s10] =	ssyncset.done $0x0  }
0x15: {  	[sflag:s10] =	ssyncadd.s32 $0xFFFF9C00  }
0x16: {  	v8 =	vld.idx.msk [tilespmem:v8+s2+$0x0], $0xffff  }
0x17: {  	v9 =	vadd.s32 s2, v1;
	_ =	sdelay $0x2  }
0x18: {  	s19 =	simm.s32 $0x6440  }
0x19: {  	[tilespmem:s19+$0xFFFFFFC0] =	vst v8  }
0x1a: {  	v8 =	vld.idx.msk [tilespmem:v9+s2+$0x0], $0xffff  }
0x1b: {  	v9 =	vadd.s32 s2, v2;
	_ =	sdelay $0x3  }
0x1c: {  	[tilespmem:s19+$0xFFFFFFD0] =	vst v8  }
0x1d: {  	v8 =	vld.idx.msk [tilespmem:v9+s2+$0x0], $0xffff  }
0x1e: {  	v9 =	vadd.s32 s2, v3;
	_ =	sdelay $0x3  }
0x1f: {  	[tilespmem:s19+$0xFFFFFFE0] =	vst v8  }
0x20: {  	v8 =	vld.idx.msk [tilespmem:v9+s2+$0x0], $0xffff  }
0x21: {  	v9 =	vadd.s32 s2, v4;
	_ =	sdelay $0x3  }
0x22: {  	[tilespmem:s19+$0xFFFFFFF0] =	vst v8  }
0x23: {  	v8 =	vld.idx.msk [tilespmem:v9+s2+$0x0], $0xffff  }
0x24: {  	v9 =	vadd.s32 s2, v5;
	_ =	sdelay $0x3  }
0x25: {  	[tilespmem:s19+$0x0] =	vst v8  }
0x26: {  	v8 =	vld.idx.msk [tilespmem:v9+s2+$0x0], $0xffff  }
0x27: {  	v9 =	vadd.s32 s2, v6;
	_ =	sdelay $0x3  }
0x28: {  	[tilespmem:s19+$0x10] =	vst v8  }
0x29: {  	v8 =	vld.idx.msk [tilespmem:v9+s2+$0x0], $0xffff  }
0x2a: {  	v9 =	vadd.s32 s2, v7;
	_ =	sdelay $0x3  }
0x2b: {  	[tilespmem:s19+$0x20] =	vst v8  }
0x2c: {  	s20 =	simm.s32 $0x1;
	v8 =	vld.idx.msk [tilespmem:v9+s2+$0x0], $0xffff  }
0x2d: {  	s21 =	simm.s32 $0x2;
	v9 =	vadd.s32 s20, v0  }
.LBB2_2:
0x2e: {  	p0 =	sne.s32 s21, $0xC7;
	_ =	sdelay $0x2  }
0x2f: {  	[tilespmem:s19+$0x30] =	vst v8  }
0x30: {  	v8 =	vld.idx.msk [tilespmem:v9+s2+$0x0], $0xffff;
	_ =	sdelay $0x1  }
0x31: {  	v9 =	vadd.s32 s20, v1;
	_ =	sdelay $0x2  }
0x32: {  	s19 =	sadd.s32 $0x80, s19  }
0x33: {  	[tilespmem:s19+$0xFFFFFFC0] =	vst v8  }
0x34: {  	v8 =	vld.idx.msk [tilespmem:v9+s2+$0x0], $0xffff;
	_ =	sdelay $0x1  }
0x35: {  	v9 =	vadd.s32 s20, v2;
	_ =	sdelay $0x3  }
0x36: {  	[tilespmem:s19+$0xFFFFFFD0] =	vst v8  }
0x37: {  	v8 =	vld.idx.msk [tilespmem:v9+s2+$0x0], $0xffff;
	_ =	sdelay $0x1  }
0x38: {  	v9 =	vadd.s32 s20, v3;
	_ =	sdelay $0x3  }
0x39: {  	[tilespmem:s19+$0xFFFFFFE0] =	vst v8  }
0x3a: {  	v8 =	vld.idx.msk [tilespmem:v9+s2+$0x0], $0xffff;
	_ =	sdelay $0x1  }
0x3b: {  	v9 =	vadd.s32 s20, v4;
	_ =	sdelay $0x3  }
0x3c: {  	[tilespmem:s19+$0xFFFFFFF0] =	vst v8  }
0x3d: {  	v8 =	vld.idx.msk [tilespmem:v9+s2+$0x0], $0xffff;
	_ =	sdelay $0x1  }
0x3e: {  	v9 =	vadd.s32 s20, v5;
	_ =	sdelay $0x3  }
0x3f: {  	[tilespmem:s19+$0x0] =	vst v8  }
0x40: {  	v8 =	vld.idx.msk [tilespmem:v9+s2+$0x0], $0xffff;
	_ =	sdelay $0x1  }
0x41: {  	v9 =	vadd.s32 s20, v6;
	_ =	sdelay $0x3  }
0x42: {  	[tilespmem:s19+$0x10] =	vst v8  }
0x43: {  	v8 =	vld.idx.msk [tilespmem:v9+s2+$0x0], $0xffff;
	_ =	sdelay $0x1  }
0x44: {  	v9 =	vadd.s32 s20, v7;
	s20 =	smov.u32 s21;
	_ =	sdelay $0x2  }
.Ltmp0:
0x45: {  	(pc) =	sbr.rel @p0 .LBB2_2-.Ltmp0, $3  }
0x46: {  	[tilespmem:s19+$0x20] =	vst v8  }
0x47: {  	v8 =	vld.idx.msk [tilespmem:v9+s2+$0x0], $0xffff;
	_ =	sdelay $0x1  }
0x48: {  	s21 =	sadd.s32 $0x1, s21;
	v9 =	vadd.s32 s20, v0  }
0x49: {  	_ =	sdelay $0x2  }
0x4a: {  	[tilespmem:s19+$0x30] =	vst v8  }
0x4b: {  	v8 =	vld.idx.msk [tilespmem:v9+s2+$0x0], $0xffff  }
0x4c: {  	v57 =	vadd.s32 s20, v1;
	_ =	sdelay $0x2  }
0x4d: {  	s31 =	sadd.s32 $0x80, s19  }
0x4e: {  	[tilespmem:s31+$0xFFFFFFC0] =	vst v8  }
0x4f: {  	v8 =	vld.idx.msk [tilespmem:v57+s2+$0x0], $0xffff  }
0x50: {  	v58 =	vadd.s32 s20, v2;
	_ =	sdelay $0x3  }
0x51: {  	[tilespmem:s31+$0xFFFFFFD0] =	vst v8  }
0x52: {  	v8 =	vld.idx.msk [tilespmem:v58+s2+$0x0], $0xffff  }
0x53: {  	v59 =	vadd.s32 s20, v3;
	_ =	sdelay $0x3  }
0x54: {  	[tilespmem:s31+$0xFFFFFFE0] =	vst v8  }
0x55: {  	v8 =	vld.idx.msk [tilespmem:v59+s2+$0x0], $0xffff  }
0x56: {  	v60 =	vadd.s32 s20, v4;
	_ =	sdelay $0x3  }
0x57: {  	[tilespmem:s31+$0xFFFFFFF0] =	vst v8  }
0x58: {  	v8 =	vld.idx.msk [tilespmem:v60+s2+$0x0], $0xffff  }
0x59: {  	v61 =	vadd.s32 s20, v5;
	_ =	sdelay $0x3  }
0x5a: {  	[tilespmem:s31+$0x0] =	vst v8  }
0x5b: {  	v8 =	vld.idx.msk [tilespmem:v61+s2+$0x0], $0xffff  }
0x5c: {  	v62 =	vadd.s32 s20, v6;
	_ =	sdelay $0x3  }
0x5d: {  	[tilespmem:s31+$0x10] =	vst v8  }
0x5e: {  	v8 =	vld.idx.msk [tilespmem:v62+s2+$0x0], $0xffff  }
0x5f: {  	v63 =	vadd.s32 s20, v7;
	_ =	sdelay $0x3  }
0x60: {  	[tilespmem:s31+$0x20] =	vst v8  }
0x61: {  	v8 =	vld.idx.msk [tilespmem:v63+s2+$0x0], $0xffff;
	_ =	sdelay $0x4  }
0x62: {  	s19 =	simm.s32 $0x0;
	[tilespmem:s31+$0x30] =	vst v8  }
0x63: {  	[tilespmem:s13], [sflag:$0x1] =	stream.indirect.gather [hbm4b:s3+s11], $0x40, s12, s11, $0xb8;
	[tilespmem:$0x14C90] =	vst v63  }
.LBB2_4:
0x64: {  	p0 =	seq.s32 s19, $0x0  }
0x65: {  	s20 =	simm.s32 @!p0 $0x2  }
0x66: {  	_ =	swait.ge @!p0 [sflag:s20], $0x2000  }
0x67: {  	s21 =	sshll.u32 s19, $0x1;
	[sflag:s20] =	ssyncset.done @!p0 $0x0  }
0x68: {  	[sflag:s20] =	ssyncadd.s32 @!p0 $0xFFFFE000;
	s20 =	sor.u32 $0x1, s21  }
0x69: {  	_ =	swait.ge [sflag:s14], $0x2000;
	s21 =	sshll.u32 s20, $0x7  }
0x6a: {  	[sflag:s14] =	ssyncset.done $0x0;
	s21 =	sand.u32 $0x3FFFFF80, s21  }
0x6b: {  	s31 =	sshll.u32 s19, $0x13;
	[sflag:s14] =	ssyncadd.s32 $0xFFFFE000;
	s21 =	sadd.s32 $0x6400, s21  }
0x6c: {  	[tilespmem:s15], [sflag:$0x1] =	stream.indirect.gather [hbm4b:s3+s11], $0x40, s21, s11, $0xb8;
	[tilespmem:$0x14C90] =	vst v63  }
0x6d: {  	s21 =	sor.u32 s5, s31  }
0x6e: {  	s21 =	sshrl.u32 s21, $0x3  }
0x6f: {  	s22 =	simm.s32 $0x10890;
	s21 =	sadd.s32 s4, s21  }
0x70: {  	s23 =	simm.s32 $0x200;
	s24 =	simm.s32 $0x10918;
	s25 =	sadd.s32 $0x0, s21  }
.LBB2_5:
0x71: {  	[hbm4b:s25+s2] =	stream.linear.scatter [tilespmem:s22], [sflag:$0x2], $0x80, $0x38;
	[tilespmem:$0x14C90] =	vst v63  }
0x72: {  	s25 =	smov.u32 s23;
	s22 =	smov.u32 s24;
	p1 =	sne.s32 s23, $0x7E00  }
.Ltmp1:
0x73: {  	s23 =	sadd.s32 $0x200, s23;
	(pc) =	sbr.rel @p1 .LBB2_5-.Ltmp1, $2  }
0x74: {  	_ =	sdelay $0x2  }
0x75: {  	s24 =	sadd.s32 $0x88, s24;
	s25 =	sadd.s32 s25, s21  }
0x76: {  	[hbm4b:s25+s2] =	stream.linear.scatter [tilespmem:s22], [sflag:$0x2], $0x80, $0x38;
	[tilespmem:$0x14C90] =	vst v63  }
0x77: {  	s21 =	simm.s32 @!p0 $0x3;
	s20 =	sshll.u32 s20, $0x12  }
0x78: {  	_ =	swait.ge @!p0 [sflag:s21], $0x2000;
	s20 =	sor.u32 s5, s20  }
0x79: {  	[sflag:s21] =	ssyncset.done @!p0 $0x0;
	s20 =	sshrl.u32 s20, $0x3  }
0x7a: {  	[sflag:s21] =	ssyncadd.s32 @!p0 $0xFFFFE000;
	p0 =	seq.s32 s19, $0x63;
	s20 =	sadd.s32 s4, s20  }
0x7b: {  	_ =	swait.ge [sflag:s14], $0x2000;
	s21 =	sshll.u32 @!p0 s19, $0x8;
	s22 =	simm.s32 @!p0 $0x80  }
0x7c: {  	s23 =	simm.s32 @!p0 $0xC890;
	[sflag:s14] =	ssyncset.done $0x0;
	s21 =	sand.u32 @!p0 $0x3FFFFF00, s21  }
0x7d: {  	s24 =	sadd.s32 $0x0, s20;
	[sflag:s14] =	ssyncadd.s32 $0xFFFFE000;
	s21 =	sadd.s32 @!p0 $0x6500, s21  }
0x7e: {  	[tilespmem:s23], [sflag:$0x1] =	stream.indirect.gather @!p0 [hbm4b:s3+s22], $0x40, s21, s22, $0xb8;
	[tilespmem:$0x14C90] =	vst v63  }
0x7f: {  	s21 =	simm.s32 $0x12A90;
	s22 =	simm.s32 $0x200;
	s23 =	simm.s32 $0x12B18  }
.LBB2_7:
0x80: {  	[hbm4b:s24+s2] =	stream.linear.scatter [tilespmem:s21], [sflag:$0x3], $0x80, $0x38;
	[tilespmem:$0x14C90] =	vst v63  }
0x81: {  	s24 =	smov.u32 s22;
	s21 =	smov.u32 s23;
	p0 =	sne.s32 s22, $0x7E00  }
.Ltmp2:
0x82: {  	s22 =	sadd.s32 $0x200, s22;
	(pc) =	sbr.rel @p0 .LBB2_7-.Ltmp2, $2  }
0x83: {  	_ =	sdelay $0x2  }
0x84: {  	s23 =	sadd.s32 $0x88, s23;
	s24 =	sadd.s32 s24, s20  }
0x85: {  	s19 =	sadd.s32 $0x1, s19  }
0x86: {  	p0 =	sne.s32 s19, $0x64  }
.Ltmp3:
0x87: {  	_ = 	snop;
	(pc) =	sbr.rel @p0 .LBB2_4-.Ltmp3, $2  }
0x88: {  	_ =	sdelay $0x2  }
0x89: {  	[hbm4b:s24+s2] =	stream.linear.scatter [tilespmem:s21], [sflag:$0x3], $0x80, $0x38;
	[tilespmem:$0x14C90] =	vst v63  }
0x8a: {  	s18 =	sadd.s32 $0x1, s18  }
0x8b: {  	_ =	swait.ge [sflag:s16], $0x2000;
	p0 =	sne.s32 s18, s8  }
.Ltmp4:
0x8c: {  	[sflag:s16] =	ssyncset.done $0x0;
	(pc) =	sbr.rel @p0 .LBB2_1-.Ltmp4, $4  }
0x8d: {  	[sflag:s16] =	ssyncadd.s32 $0xFFFFE000  }
0x8e: {  	_ =	swait.ge [sflag:s17], $0x2000  }
0x8f: {  	[sflag:s17] =	ssyncset.done $0x0  }
0x90: {  	[sflag:s17] =	ssyncadd.s32 $0xFFFFE000  }
0x91: {  	_ =	sfence.sel $0x180000  }
0x92: {  	[bflag:$0x0] =	sbarrier.arrive $0xFFFF  }
0x93: {  	p0 =	sne.s32 s1, $0x0;
	_ =	strace $0x90000047  }
0x94: {  	s0 =	sadd.s32 @!p0 $0x100000, s0;
	[bflag:$0x2] =	sbarrier.arrive $0xFFFF  }
0x95: {  	[sflag:s0] =	ssyncadd.tile.s32 @!p0 $0x1;
	_ =	shalt  }
.Lfunc_end2:
_tile_overlayer_lowered:
.L_overlay_start_2:
0x96: {  	(tag) =	ssettag $0x2  }
0x97: {  	s0 =	rddreg [dreg:$0x0];
	s2 =	stileid.u32  }
0x98: {  	s1 =	rddreg [dreg:$0x1];
	p0 =	sne.s32 s2, $0x0  }
0x99: {  	s3 =	rddreg [dreg:$0x2];
	[bflag:$0x3] =	sbarrier.arrive $0xFFFF;
	s2 =	simm.s32 @!p0 $0x1C04  }
0x9a: {  	[timem:s3], [sflag:s2] =	dma.local @!p0 [hbm:s0], s1  }
0x9b: {  	s0 =	simm.s32 @!p0 $0x4  }
0x9c: {  	_ =	swait.ge @!p0 [sflag:s0], s1  }
0x9d: {  	s1 =	ssub.s32 @!p0 $0x0, s1;
	[sflag:s0] =	ssyncset.done @!p0 $0x0  }
0x9e: {  	[sflag:s0] =	ssyncadd.s32 @!p0 s1  }
0x9f: {  	[bflag:$0x3] =	sbarrier.arrive $0xFFFF  }
0xa0: {  	_ =	shalt  }

</sc_bundles>
